<compile_context>
chip_gen: v7x
topology: tpu7x:2x2x1
jax: 0.10.2.dev20260603
libtpu: 0.0.44.dev20260713+nightly
codegen_flags: <defaults>
</compile_context>

<pallas_src>
import functools
import math

import jax
import jax.numpy as jnp
from jax import lax
from jax.experimental import pallas as pl
from jax.experimental.pallas import tpu as pltpu
from jax.experimental.pallas import tpu_sc as plsc

_VOCAB = 100000
_DIM = 128
_NUM_SAMPLED = 64
_B = 4096
_LOG_V1 = math.log(_VOCAB + 1.0)

_NC = 2
_NS = 16
_NW = _NC * _NS
_BPW = _B // _NW
_SW_WORKERS = 8
_SPW = _NUM_SAMPLED // _SW_WORKERS


def _sc_gather_body(emb_t, sc_t, sb_t, in_idx, t_idx, s_idx,
                    emb_o, tw_o, tb_o, sw_o, sb_o,
                    eidx_v, tidx_v, sidx_v, erows_v, trows_v, tb_v,
                    srows_v, sb_v, sem0, sem1, sem2, sem3, sem4,
                    sem5, sem6, sem7):
    wid = lax.axis_index("s") * _NC + lax.axis_index("c")
    base = wid * _BPW
    ci = pltpu.async_copy(in_idx.at[pl.ds(base, _BPW)], eidx_v, sem0)
    cj = pltpu.async_copy(t_idx.at[pl.ds(base, _BPW)], tidx_v, sem1)
    ci.wait()
    ce = pltpu.async_copy(emb_t.at[eidx_v], erows_v, sem0)
    cj.wait()
    ct = pltpu.async_copy(sc_t.at[tidx_v], trows_v, sem1)
    cb = pltpu.async_copy(sb_t.at[tidx_v], tb_v, sem2)

    @pl.when(wid < _SW_WORKERS)
    def _():
        sbase = wid * _SPW
        pltpu.async_copy(s_idx.at[pl.ds(sbase, _SPW)], sidx_v, sem3).wait()
        cs = pltpu.async_copy(sc_t.at[sidx_v], srows_v, sem3)
        cz = pltpu.async_copy(sb_t.at[sidx_v], sb_v, sem4)
        cs.wait()
        ws = pltpu.async_copy(srows_v, sw_o.at[pl.ds(sbase, _SPW)], sem5)
        cz.wait()
        wz = pltpu.async_copy(sb_v, sb_o.at[pl.ds(sbase, _SPW)], sem6)
        ws.wait()
        wz.wait()

    ce.wait()
    we = pltpu.async_copy(erows_v, emb_o.at[pl.ds(base, _BPW)], sem0)
    ct.wait()
    wt = pltpu.async_copy(trows_v, tw_o.at[pl.ds(base, _BPW)], sem1)
    cb.wait()
    wb = pltpu.async_copy(tb_v, tb_o.at[pl.ds(base, _BPW)], sem7)
    we.wait()
    wt.wait()
    wb.wait()


@functools.cache
def _make_sc_gather():
  return functools.partial(
    pl.kernel,
    out_type=(
        jax.ShapeDtypeStruct((_B, _DIM), jnp.float32),
        jax.ShapeDtypeStruct((_B, _DIM), jnp.float32),
        jax.ShapeDtypeStruct((_B,), jnp.float32),
        jax.ShapeDtypeStruct((_NUM_SAMPLED, _DIM), jnp.float32),
        jax.ShapeDtypeStruct((_NUM_SAMPLED,), jnp.float32),
    ),
    mesh=plsc.VectorSubcoreMesh(core_axis_name="c", subcore_axis_name="s"),
    scratch_types=[
        pltpu.VMEM((_BPW,), jnp.int32),
        pltpu.VMEM((_BPW,), jnp.int32),
        pltpu.VMEM((_SPW,), jnp.int32),
        pltpu.VMEM((_BPW, _DIM), jnp.float32),
        pltpu.VMEM((_BPW, _DIM), jnp.float32),
        pltpu.VMEM((_BPW,), jnp.float32),
        pltpu.VMEM((_SPW, _DIM), jnp.float32),
        pltpu.VMEM((_SPW,), jnp.float32),
        pltpu.SemaphoreType.DMA,
        pltpu.SemaphoreType.DMA,
        pltpu.SemaphoreType.DMA,
        pltpu.SemaphoreType.DMA,
        pltpu.SemaphoreType.DMA,
        pltpu.SemaphoreType.DMA,
        pltpu.SemaphoreType.DMA,
        pltpu.SemaphoreType.DMA,
    ],
  )(_sc_gather_body)


_BB = 2048


def _dense_body(emb_r, tw_r, tb_r, tid_r, sw_r, sid_r, sb_r, out_r):
    emb = emb_r[...]
    tw = tw_r[...]
    tb = tb_r[...]
    tid = tid_r[...].astype(jnp.float32)
    logq_t = jnp.log((jnp.log(tid + 2.0) - jnp.log(tid + 1.0)) / _LOG_V1)
    ones_d = jnp.ones((1, _DIM), jnp.float32)
    rd = lax.dot_general(ones_d, emb * tw, (((1,), (1,)), ((), ())),
                         preferred_element_type=jnp.float32)
    tl = rd.reshape(_BB) + tb - logq_t
    sid = sid_r[...].astype(jnp.float32)
    logq_s = jnp.log((jnp.log(sid + 2.0) - jnp.log(sid + 1.0)) / _LOG_V1)
    soff = sb_r[...] - logq_s
    slg = lax.dot_general(emb, sw_r[...], (((1,), (1,)), ((), ())),
                          preferred_element_type=jnp.float32)
    slg = slg + soff[None, :]
    loss_true = jnp.maximum(tl, 0.0) - tl + jnp.log(1.0 + jnp.exp(-jnp.abs(tl)))
    samp_terms = jnp.maximum(slg, 0.0) + jnp.log(1.0 + jnp.exp(-jnp.abs(slg)))
    resid_terms = samp_terms - soff[None, :]
    soff_sum = jnp.sum(soff)
    ones_s = jnp.ones((1, _NUM_SAMPLED), jnp.float32)
    ls = lax.dot_general(ones_s, resid_terms, (((1,), (1,)), ((), ())),
                         preferred_element_type=jnp.float32)
    loss_samp = ls.reshape(_BB) + soff_sum
    out_r[...] = loss_true + loss_samp


_dense_in_specs = [
    pl.BlockSpec((_BB, _DIM), lambda i: (i, 0)),
    pl.BlockSpec((_BB, _DIM), lambda i: (i, 0)),
    pl.BlockSpec((_BB,), lambda i: (i,)),
    pl.BlockSpec((_BB,), lambda i: (i,)),
    pl.BlockSpec((_NUM_SAMPLED, _DIM), lambda i: (0, 0)),
    pl.BlockSpec((_NUM_SAMPLED,), lambda i: (0,)),
    pl.BlockSpec((_NUM_SAMPLED,), lambda i: (0,)),
]
_dense_out_specs = pl.BlockSpec((_BB,), lambda i: (i,))

_dense = pl.pallas_call(
    _dense_body,
    grid=(_B // _BB,),
    in_specs=_dense_in_specs,
    out_specs=_dense_out_specs,
    out_shape=jax.ShapeDtypeStruct((_B,), jnp.float32),
)


def kernel(inputs, target, embedding_weights, score_weights, score_bias):
    in_idx = inputs.astype(jnp.int32)
    t_idx = target.reshape(-1).astype(jnp.int32)
    skey = jax.random.key(42)
    u = jax.random.uniform(skey, (_NUM_SAMPLED,), dtype=jnp.float32)
    sampled = jnp.clip(
        (jnp.exp(u * _LOG_V1) - 1.0).astype(jnp.int32), 0, _VOCAB - 1)
    emb, tw, tb, sw, sb = _make_sc_gather()(
        embedding_weights, score_weights, score_bias, in_idx, t_idx, sampled)
    return _dense(emb, tw, tb, t_idx, sw, sampled, sb)

# --- scband reference (transcript-rebuilt; emitter-appended) ---
"""Pipeline reference for scband-skip-gram-66829691125776 (READ-ONLY COPY).

The authoritative reference and input builder live on the scoring server;
editing this copy changes nothing except your own understanding.
"""

import jax, jax.numpy as jnp
import numpy as np

VOCAB = 100000
DIM = 128
NUM_SAMPLED = 64


def setup_inputs(seed: int = 0) -> dict:
    key = jax.random.key(seed)
    k1, k2, k3, k4, k5 = jax.random.split(key, 5)
    inputs = jax.random.randint(k1, (4096,), 0, VOCAB, dtype=jnp.int64)
    target = jax.random.randint(k2, (4096, 1), 0, VOCAB, dtype=jnp.int64)
    embedding_weights = jax.random.normal(k3, (VOCAB, DIM), dtype=jnp.float32) * 0.05
    score_weights = jax.random.normal(k4, (VOCAB, DIM), dtype=jnp.float32) * 0.05
    score_bias = jax.random.normal(k5, (VOCAB,), dtype=jnp.float32) * 0.05
    return {"inputs": inputs, "target": target, "embedding_weights": embedding_weights, "score_weights": score_weights, "score_bias": score_bias}


def _log_uniform_logq(ids, vocab):
    ids_f = ids.astype(jnp.float32)
    return jnp.log((jnp.log(ids_f + 2.0) - jnp.log(ids_f + 1.0)) / jnp.log(vocab + 1.0))


def _sigmoid_ce(logits, labels):
    return jnp.maximum(logits, 0.0) - logits * labels + jnp.log1p(jnp.exp(-jnp.abs(logits)))


def reference(inputs, target, embedding_weights, score_weights, score_bias):
    # embedding lookup (SparseCore gather)
    embedding = jnp.take(embedding_weights, inputs, axis=0)  # [B, D]
    vocab = score_weights.shape[0]
    # log-uniform (Zipf) candidate sampling, as in tf.nn.nce_loss's default sampler
    skey = jax.random.key(42)
    u = jax.random.uniform(skey, (NUM_SAMPLED,), dtype=jnp.float32)
    sampled = jnp.clip((jnp.exp(u * jnp.log(vocab + 1.0)) - 1.0).astype(jnp.int32), 0, vocab - 1)
    true_ids = target.reshape(-1)  # [B]
    true_w = jnp.take(score_weights, true_ids, axis=0)  # [B, D]
    true_b = jnp.take(score_bias, true_ids, axis=0)  # [B]
    true_logits = jnp.sum(embedding * true_w, axis=1) + true_b - _log_uniform_logq(true_ids, vocab)
    sampled_w = jnp.take(score_weights, sampled, axis=0)  # [S, D]
    sampled_b = jnp.take(score_bias, sampled, axis=0)  # [S]
    sampled_logits = embedding @ sampled_w.T + sampled_b[None, :] - _log_uniform_logq(sampled, vocab)[None, :]
    loss = _sigmoid_ce(true_logits, 1.0) + jnp.sum(_sigmoid_ce(sampled_logits, 0.0), axis=1)
    return loss

if __name__ == "__main__":
    import jax
    _d = setup_inputs()
    print(jax.jit(kernel)(*tuple(_d.values())))

</pallas_src>

<mosaic_0001>
#map = affine_map<(d0, d1) -> (0, 0)>
#map1 = affine_map<(d0, d1) -> (0)>
module attributes {stable_mosaic.version = 14 : i64} {
  func.func @_sc_gather_body(%arg0: i32, %arg1: i32, %arg2: memref<100000x128xf32, #tpu.memory_space<hbm>>, %arg3: memref<100000x128xf32, #tpu.memory_space<hbm>>, %arg4: memref<100000xf32, #tpu.memory_space<hbm>>, %arg5: memref<4096xi32, #tpu.memory_space<hbm>>, %arg6: memref<4096xi32, #tpu.memory_space<hbm>>, %arg7: memref<64xi32, #tpu.memory_space<hbm>>, %arg8: memref<4096x128xf32, #tpu.memory_space<hbm>>, %arg9: memref<4096x128xf32, #tpu.memory_space<hbm>>, %arg10: memref<4096xf32, #tpu.memory_space<hbm>>, %arg11: memref<64x128xf32, #tpu.memory_space<hbm>>, %arg12: memref<64xf32, #tpu.memory_space<hbm>>, %arg13: memref<128xi32, #tpu.memory_space<vmem>>, %arg14: memref<128xi32, #tpu.memory_space<vmem>>, %arg15: memref<8xi32, #tpu.memory_space<vmem>>, %arg16: memref<128x128xf32, #tpu.memory_space<vmem>>, %arg17: memref<128x128xf32, #tpu.memory_space<vmem>>, %arg18: memref<128xf32, #tpu.memory_space<vmem>>, %arg19: memref<8x128xf32, #tpu.memory_space<vmem>>, %arg20: memref<8xf32, #tpu.memory_space<vmem>>, %arg21: memref<!tpu.dma_semaphore, #tpu.memory_space<semaphore_mem>>, %arg22: memref<!tpu.dma_semaphore, #tpu.memory_space<semaphore_mem>>, %arg23: memref<!tpu.dma_semaphore, #tpu.memory_space<semaphore_mem>>, %arg24: memref<!tpu.dma_semaphore, #tpu.memory_space<semaphore_mem>>, %arg25: memref<!tpu.dma_semaphore, #tpu.memory_space<semaphore_mem>>, %arg26: memref<!tpu.dma_semaphore, #tpu.memory_space<semaphore_mem>>, %arg27: memref<!tpu.dma_semaphore, #tpu.memory_space<semaphore_mem>>, %arg28: memref<!tpu.dma_semaphore, #tpu.memory_space<semaphore_mem>>) attributes {dimension_semantics = [#tpu.dimension_semantics<core_parallel>, #tpu.dimension_semantics<subcore_parallel>], iteration_bounds = array<i64: 2, 16>, scalar_prefetch = 0 : i64, scratch_operands = 16 : i64, tpu.core_type = #tpu.core_type<sc_vector_subcore>, window_params = [{transform_indices = #map}, {transform_indices = #map}, {transform_indices = #map1}, {transform_indices = #map1}, {transform_indices = #map1}, {transform_indices = #map1}, {transform_indices = #map}, {transform_indices = #map}, {transform_indices = #map1}, {transform_indices = #map}, {transform_indices = #map1}]} {
    %mul3A = arith.constant 2 : i32
    %mul3A_0 = arith.muli %arg1, %mul3A : i32
    %add3A = arith.addi %mul3A_0, %arg0 : i32
    %mul3A_1 = arith.constant 128 : i32
    %mul3A_2 = arith.muli %add3A, %mul3A_1 : i32
    %dma_start3A = tpu.memref_slice %arg5[%mul3A_2] : memref<4096xi32, #tpu.memory_space<hbm>> -> memref<128xi32, #tpu.memory_space<hbm>>
    %dma_start3A_3 = tpu.memref_slice %arg5[%mul3A_2] : memref<4096xi32, #tpu.memory_space<hbm>> -> memref<128xi32, #tpu.memory_space<hbm>>
    tpu.enqueue_dma source(%dma_start3A_3 : memref<128xi32, #tpu.memory_space<hbm>>) target(%arg13 : memref<128xi32, #tpu.memory_space<vmem>>) target_semaphore(%arg21 : memref<!tpu.dma_semaphore, #tpu.memory_space<semaphore_mem>>)
    %dma_start3A_4 = tpu.memref_slice %arg6[%mul3A_2] : memref<4096xi32, #tpu.memory_space<hbm>> -> memref<128xi32, #tpu.memory_space<hbm>>
    %dma_start3A_5 = tpu.memref_slice %arg6[%mul3A_2] : memref<4096xi32, #tpu.memory_space<hbm>> -> memref<128xi32, #tpu.memory_space<hbm>>
    tpu.enqueue_dma source(%dma_start3A_5 : memref<128xi32, #tpu.memory_space<hbm>>) target(%arg14 : memref<128xi32, #tpu.memory_space<vmem>>) target_semaphore(%arg22 : memref<!tpu.dma_semaphore, #tpu.memory_space<semaphore_mem>>)
    %dma_wait3A = tpu.memref_slice %arg5[%mul3A_2] : memref<4096xi32, #tpu.memory_space<hbm>> -> memref<128xi32, #tpu.memory_space<hbm>>
    %dma_wait3A_6 = tpu.memref_slice %arg5[%mul3A_2] : memref<4096xi32, #tpu.memory_space<hbm>> -> memref<128xi32, #tpu.memory_space<hbm>>
    tpu.wait_dma2 semaphore(%arg21 : memref<!tpu.dma_semaphore, #tpu.memory_space<semaphore_mem>>) src(%dma_wait3A_6 : memref<128xi32, #tpu.memory_space<hbm>>) dst(%arg13 : memref<128xi32, #tpu.memory_space<vmem>>)
    %dma_start3A_7 = arith.constant 0 : i32
    %dma_start3A_8 = arith.constant 0 : i32
    %dma_start3A_9 = tpu.memref_slice %arg2[%dma_start3A_7, %dma_start3A_8] : memref<100000x128xf32, #tpu.memory_space<hbm>> -> memref<100000x128xf32, #tpu.memory_space<hbm>>
    tpu.enqueue_indirect_dma source(%dma_start3A_9 : memref<100000x128xf32, #tpu.memory_space<hbm>>) target(%arg16 : memref<128x128xf32, #tpu.memory_space<vmem>>) offsets(%arg13 : memref<128xi32, #tpu.memory_space<vmem>>) semaphore(%arg21 : memref<!tpu.dma_semaphore, #tpu.memory_space<semaphore_mem>>)
    %dma_wait3A_10 = tpu.memref_slice %arg6[%mul3A_2] : memref<4096xi32, #tpu.memory_space<hbm>> -> memref<128xi32, #tpu.memory_space<hbm>>
    %dma_wait3A_11 = tpu.memref_slice %arg6[%mul3A_2] : memref<4096xi32, #tpu.memory_space<hbm>> -> memref<128xi32, #tpu.memory_space<hbm>>
    tpu.wait_dma2 semaphore(%arg22 : memref<!tpu.dma_semaphore, #tpu.memory_space<semaphore_mem>>) src(%dma_wait3A_11 : memref<128xi32, #tpu.memory_space<hbm>>) dst(%arg14 : memref<128xi32, #tpu.memory_space<vmem>>)
    %dma_start3A_12 = arith.constant 0 : i32
    %dma_start3A_13 = arith.constant 0 : i32
    %dma_start3A_14 = tpu.memref_slice %arg3[%dma_start3A_12, %dma_start3A_13] : memref<100000x128xf32, #tpu.memory_space<hbm>> -> memref<100000x128xf32, #tpu.memory_space<hbm>>
    tpu.enqueue_indirect_dma source(%dma_start3A_14 : memref<100000x128xf32, #tpu.memory_space<hbm>>) target(%arg17 : memref<128x128xf32, #tpu.memory_space<vmem>>) offsets(%arg14 : memref<128xi32, #tpu.memory_space<vmem>>) semaphore(%arg22 : memref<!tpu.dma_semaphore, #tpu.memory_space<semaphore_mem>>)
    %dma_start3A_15 = arith.constant 0 : i32
    %dma_start3A_16 = tpu.memref_slice %arg4[%dma_start3A_15] : memref<100000xf32, #tpu.memory_space<hbm>> -> memref<100000xf32, #tpu.memory_space<hbm>>
    tpu.enqueue_indirect_dma source(%dma_start3A_16 : memref<100000xf32, #tpu.memory_space<hbm>>) target(%arg18 : memref<128xf32, #tpu.memory_space<vmem>>) offsets(%arg14 : memref<128xi32, #tpu.memory_space<vmem>>) semaphore(%arg23 : memref<!tpu.dma_semaphore, #tpu.memory_space<semaphore_mem>>)
    %lt3A = arith.constant 8 : i32
    %lt3A_17 = arith.cmpi slt, %add3A, %lt3A : i32
    %convert_element_type3A = arith.extui %lt3A_17 : i1 to i32
    %cond3A = arith.constant 0 : i32
    %cond3A_18 = arith.cmpi ne, %convert_element_type3A, %cond3A : i32
    scf.if %cond3A_18 {
      %mul3A_47 = arith.constant 8 : i32
      %mul3A_48 = arith.muli %add3A, %mul3A_47 : i32
      %dma_start3A_49 = tpu.memref_slice %arg7[%mul3A_48] : memref<64xi32, #tpu.memory_space<hbm>> -> memref<8xi32, #tpu.memory_space<hbm>>
      %dma_start3A_50 = tpu.memref_slice %arg7[%mul3A_48] : memref<64xi32, #tpu.memory_space<hbm>> -> memref<8xi32, #tpu.memory_space<hbm>>
      tpu.enqueue_dma source(%dma_start3A_50 : memref<8xi32, #tpu.memory_space<hbm>>) target(%arg15 : memref<8xi32, #tpu.memory_space<vmem>>) target_semaphore(%arg24 : memref<!tpu.dma_semaphore, #tpu.memory_space<semaphore_mem>>)
      %dma_wait3A_51 = tpu.memref_slice %arg7[%mul3A_48] : memref<64xi32, #tpu.memory_space<hbm>> -> memref<8xi32, #tpu.memory_space<hbm>>
      %dma_wait3A_52 = tpu.memref_slice %arg7[%mul3A_48] : memref<64xi32, #tpu.memory_space<hbm>> -> memref<8xi32, #tpu.memory_space<hbm>>
      tpu.wait_dma2 semaphore(%arg24 : memref<!tpu.dma_semaphore, #tpu.memory_space<semaphore_mem>>) src(%dma_wait3A_52 : memref<8xi32, #tpu.memory_space<hbm>>) dst(%arg15 : memref<8xi32, #tpu.memory_space<vmem>>)
      %dma_start3A_53 = arith.constant 0 : i32
      %dma_start3A_54 = arith.constant 0 : i32
      %dma_start3A_55 = tpu.memref_slice %arg3[%dma_start3A_53, %dma_start3A_54] : memref<100000x128xf32, #tpu.memory_space<hbm>> -> memref<100000x128xf32, #tpu.memory_space<hbm>>
      tpu.enqueue_indirect_dma source(%dma_start3A_55 : memref<100000x128xf32, #tpu.memory_space<hbm>>) target(%arg19 : memref<8x128xf32, #tpu.memory_space<vmem>>) offsets(%arg15 : memref<8xi32, #tpu.memory_space<vmem>>) semaphore(%arg24 : memref<!tpu.dma_semaphore, #tpu.memory_space<semaphore_mem>>)
      %dma_start3A_56 = arith.constant 0 : i32
      %dma_start3A_57 = tpu.memref_slice %arg4[%dma_start3A_56] : memref<100000xf32, #tpu.memory_space<hbm>> -> memref<100000xf32, #tpu.memory_space<hbm>>
      tpu.enqueue_indirect_dma source(%dma_start3A_57 : memref<100000xf32, #tpu.memory_space<hbm>>) target(%arg20 : memref<8xf32, #tpu.memory_space<vmem>>) offsets(%arg15 : memref<8xi32, #tpu.memory_space<vmem>>) semaphore(%arg25 : memref<!tpu.dma_semaphore, #tpu.memory_space<semaphore_mem>>)
      %dma_wait3A_58 = arith.constant 0 : i32
      %dma_wait3A_59 = arith.constant 0 : i32
      %dma_wait3A_60 = tpu.memref_slice %arg3[%dma_wait3A_58, %dma_wait3A_59] : memref<100000x128xf32, #tpu.memory_space<hbm>> -> memref<100000x128xf32, #tpu.memory_space<hbm>>
      tpu.wait_indirect_dma semaphore(%arg24 : memref<!tpu.dma_semaphore, #tpu.memory_space<semaphore_mem>>) src(%dma_wait3A_60 : memref<100000x128xf32, #tpu.memory_space<hbm>>) dst(%arg19 : memref<8x128xf32, #tpu.memory_space<vmem>>)
      %dma_start3A_61 = arith.constant 0 : i32
      %dma_start3A_62 = tpu.memref_slice %arg11[%mul3A_48, %dma_start3A_61] : memref<64x128xf32, #tpu.memory_space<hbm>> -> memref<8x128xf32, #tpu.memory_space<hbm>>
      %dma_start3A_63 = arith.constant 0 : i32
      %dma_start3A_64 = tpu.memref_slice %arg11[%mul3A_48, %dma_start3A_63] : memref<64x128xf32, #tpu.memory_space<hbm>> -> memref<8x128xf32, #tpu.memory_space<hbm>>
      tpu.enqueue_dma source(%arg19 : memref<8x128xf32, #tpu.memory_space<vmem>>) target(%dma_start3A_64 : memref<8x128xf32, #tpu.memory_space<hbm>>) target_semaphore(%arg26 : memref<!tpu.dma_semaphore, #tpu.memory_space<semaphore_mem>>)
      %dma_wait3A_65 = arith.constant 0 : i32
      %dma_wait3A_66 = tpu.memref_slice %arg4[%dma_wait3A_65] : memref<100000xf32, #tpu.memory_space<hbm>> -> memref<100000xf32, #tpu.memory_space<hbm>>
      tpu.wait_indirect_dma semaphore(%arg25 : memref<!tpu.dma_semaphore, #tpu.memory_space<semaphore_mem>>) src(%dma_wait3A_66 : memref<100000xf32, #tpu.memory_space<hbm>>) dst(%arg20 : memref<8xf32, #tpu.memory_space<vmem>>)
      %dma_start3A_67 = tpu.memref_slice %arg12[%mul3A_48] : memref<64xf32, #tpu.memory_space<hbm>> -> memref<8xf32, #tpu.memory_space<hbm>>
      %dma_start3A_68 = tpu.memref_slice %arg12[%mul3A_48] : memref<64xf32, #tpu.memory_space<hbm>> -> memref<8xf32, #tpu.memory_space<hbm>>
      tpu.enqueue_dma source(%arg20 : memref<8xf32, #tpu.memory_space<vmem>>) target(%dma_start3A_68 : memref<8xf32, #tpu.memory_space<hbm>>) target_semaphore(%arg27 : memref<!tpu.dma_semaphore, #tpu.memory_space<semaphore_mem>>)
      %dma_wait3A_69 = arith.constant 0 : i32
      %dma_wait3A_70 = tpu.memref_slice %arg11[%mul3A_48, %dma_wait3A_69] : memref<64x128xf32, #tpu.memory_space<hbm>> -> memref<8x128xf32, #tpu.memory_space<hbm>>
      %dma_wait3A_71 = arith.constant 0 : i32
      %dma_wait3A_72 = tpu.memref_slice %arg11[%mul3A_48, %dma_wait3A_71] : memref<64x128xf32, #tpu.memory_space<hbm>> -> memref<8x128xf32, #tpu.memory_space<hbm>>
      tpu.wait_dma2 semaphore(%arg26 : memref<!tpu.dma_semaphore, #tpu.memory_space<semaphore_mem>>) src(%arg19 : memref<8x128xf32, #tpu.memory_space<vmem>>) dst(%dma_wait3A_72 : memref<8x128xf32, #tpu.memory_space<hbm>>)
      %dma_wait3A_73 = tpu.memref_slice %arg12[%mul3A_48] : memref<64xf32, #tpu.memory_space<hbm>> -> memref<8xf32, #tpu.memory_space<hbm>>
      %dma_wait3A_74 = tpu.memref_slice %arg12[%mul3A_48] : memref<64xf32, #tpu.memory_space<hbm>> -> memref<8xf32, #tpu.memory_space<hbm>>
      tpu.wait_dma2 semaphore(%arg27 : memref<!tpu.dma_semaphore, #tpu.memory_space<semaphore_mem>>) src(%arg20 : memref<8xf32, #tpu.memory_space<vmem>>) dst(%dma_wait3A_74 : memref<8xf32, #tpu.memory_space<hbm>>)
    } else {
    }
    %dma_wait3A_19 = arith.constant 0 : i32
    %dma_wait3A_20 = arith.constant 0 : i32
    %dma_wait3A_21 = tpu.memref_slice %arg2[%dma_wait3A_19, %dma_wait3A_20] : memref<100000x128xf32, #tpu.memory_space<hbm>> -> memref<100000x128xf32, #tpu.memory_space<hbm>>
    tpu.wait_indirect_dma semaphore(%arg21 : memref<!tpu.dma_semaphore, #tpu.memory_space<semaphore_mem>>) src(%dma_wait3A_21 : memref<100000x128xf32, #tpu.memory_space<hbm>>) dst(%arg16 : memref<128x128xf32, #tpu.memory_space<vmem>>)
    %dma_start3A_22 = arith.constant 0 : i32
    %dma_start3A_23 = tpu.memref_slice %arg8[%mul3A_2, %dma_start3A_22] : memref<4096x128xf32, #tpu.memory_space<hbm>> -> memref<128x128xf32, #tpu.memory_space<hbm>>
    %dma_start3A_24 = arith.constant 0 : i32
    %dma_start3A_25 = tpu.memref_slice %arg8[%mul3A_2, %dma_start3A_24] : memref<4096x128xf32, #tpu.memory_space<hbm>> -> memref<128x128xf32, #tpu.memory_space<hbm>>
    tpu.enqueue_dma source(%arg16 : memref<128x128xf32, #tpu.memory_space<vmem>>) target(%dma_start3A_25 : memref<128x128xf32, #tpu.memory_space<hbm>>) target_semaphore(%arg21 : memref<!tpu.dma_semaphore, #tpu.memory_space<semaphore_mem>>)
    %dma_wait3A_26 = arith.constant 0 : i32
    %dma_wait3A_27 = arith.constant 0 : i32
    %dma_wait3A_28 = tpu.memref_slice %arg3[%dma_wait3A_26, %dma_wait3A_27] : memref<100000x128xf32, #tpu.memory_space<hbm>> -> memref<100000x128xf32, #tpu.memory_space<hbm>>
    tpu.wait_indirect_dma semaphore(%arg22 : memref<!tpu.dma_semaphore, #tpu.memory_space<semaphore_mem>>) src(%dma_wait3A_28 : memref<100000x128xf32, #tpu.memory_space<hbm>>) dst(%arg17 : memref<128x128xf32, #tpu.memory_space<vmem>>)
    %dma_start3A_29 = arith.constant 0 : i32
    %dma_start3A_30 = tpu.memref_slice %arg9[%mul3A_2, %dma_start3A_29] : memref<4096x128xf32, #tpu.memory_space<hbm>> -> memref<128x128xf32, #tpu.memory_space<hbm>>
    %dma_start3A_31 = arith.constant 0 : i32
    %dma_start3A_32 = tpu.memref_slice %arg9[%mul3A_2, %dma_start3A_31] : memref<4096x128xf32, #tpu.memory_space<hbm>> -> memref<128x128xf32, #tpu.memory_space<hbm>>
    tpu.enqueue_dma source(%arg17 : memref<128x128xf32, #tpu.memory_space<vmem>>) target(%dma_start3A_32 : memref<128x128xf32, #tpu.memory_space<hbm>>) target_semaphore(%arg22 : memref<!tpu.dma_semaphore, #tpu.memory_space<semaphore_mem>>)
    %dma_wait3A_33 = arith.constant 0 : i32
    %dma_wait3A_34 = tpu.memref_slice %arg4[%dma_wait3A_33] : memref<100000xf32, #tpu.memory_space<hbm>> -> memref<100000xf32, #tpu.memory_space<hbm>>
    tpu.wait_indirect_dma semaphore(%arg23 : memref<!tpu.dma_semaphore, #tpu.memory_space<semaphore_mem>>) src(%dma_wait3A_34 : memref<100000xf32, #tpu.memory_space<hbm>>) dst(%arg18 : memref<128xf32, #tpu.memory_space<vmem>>)
    %dma_start3A_35 = tpu.memref_slice %arg10[%mul3A_2] : memref<4096xf32, #tpu.memory_space<hbm>> -> memref<128xf32, #tpu.memory_space<hbm>>
    %dma_start3A_36 = tpu.memref_slice %arg10[%mul3A_2] : memref<4096xf32, #tpu.memory_space<hbm>> -> memref<128xf32, #tpu.memory_space<hbm>>
    tpu.enqueue_dma source(%arg18 : memref<128xf32, #tpu.memory_space<vmem>>) target(%dma_start3A_36 : memref<128xf32, #tpu.memory_space<hbm>>) target_semaphore(%arg28 : memref<!tpu.dma_semaphore, #tpu.memory_space<semaphore_mem>>)
    %dma_wait3A_37 = arith.constant 0 : i32
    %dma_wait3A_38 = tpu.memref_slice %arg8[%mul3A_2, %dma_wait3A_37] : memref<4096x128xf32, #tpu.memory_space<hbm>> -> memref<128x128xf32, #tpu.memory_space<hbm>>
    %dma_wait3A_39 = arith.constant 0 : i32
    %dma_wait3A_40 = tpu.memref_slice %arg8[%mul3A_2, %dma_wait3A_39] : memref<4096x128xf32, #tpu.memory_space<hbm>> -> memref<128x128xf32, #tpu.memory_space<hbm>>
    tpu.wait_dma2 semaphore(%arg21 : memref<!tpu.dma_semaphore, #tpu.memory_space<semaphore_mem>>) src(%arg16 : memref<128x128xf32, #tpu.memory_space<vmem>>) dst(%dma_wait3A_40 : memref<128x128xf32, #tpu.memory_space<hbm>>)
    %dma_wait3A_41 = arith.constant 0 : i32
    %dma_wait3A_42 = tpu.memref_slice %arg9[%mul3A_2, %dma_wait3A_41] : memref<4096x128xf32, #tpu.memory_space<hbm>> -> memref<128x128xf32, #tpu.memory_space<hbm>>
    %dma_wait3A_43 = arith.constant 0 : i32
    %dma_wait3A_44 = tpu.memref_slice %arg9[%mul3A_2, %dma_wait3A_43] : memref<4096x128xf32, #tpu.memory_space<hbm>> -> memref<128x128xf32, #tpu.memory_space<hbm>>
    tpu.wait_dma2 semaphore(%arg22 : memref<!tpu.dma_semaphore, #tpu.memory_space<semaphore_mem>>) src(%arg17 : memref<128x128xf32, #tpu.memory_space<vmem>>) dst(%dma_wait3A_44 : memref<128x128xf32, #tpu.memory_space<hbm>>)
    %dma_wait3A_45 = tpu.memref_slice %arg10[%mul3A_2] : memref<4096xf32, #tpu.memory_space<hbm>> -> memref<128xf32, #tpu.memory_space<hbm>>
    %dma_wait3A_46 = tpu.memref_slice %arg10[%mul3A_2] : memref<4096xf32, #tpu.memory_space<hbm>> -> memref<128xf32, #tpu.memory_space<hbm>>
    tpu.wait_dma2 semaphore(%arg28 : memref<!tpu.dma_semaphore, #tpu.memory_space<semaphore_mem>>) src(%arg18 : memref<128xf32, #tpu.memory_space<vmem>>) dst(%dma_wait3A_46 : memref<128xf32, #tpu.memory_space<hbm>>)
    return
  }
}

module attributes {stable_mosaic.version = 14 : i64} {
  func.func @_dense_body(%arg0: i32, %arg1: memref<2048x128xf32, #tpu.memory_space<vmem>>, %arg2: memref<2048x128xf32, #tpu.memory_space<vmem>>, %arg3: memref<2048xf32, #tpu.memory_space<vmem>>, %arg4: memref<2048xi32, #tpu.memory_space<vmem>>, %arg5: memref<64x128xf32, #tpu.memory_space<vmem>>, %arg6: memref<64xi32, #tpu.memory_space<vmem>>, %arg7: memref<64xf32, #tpu.memory_space<vmem>>, %arg8: memref<2048xf32, #tpu.memory_space<vmem>>) attributes {dimension_semantics = [#tpu.dimension_semantics<arbitrary>], iteration_bounds = array<i64: 2>, scalar_prefetch = 0 : i64, scratch_operands = 0 : i64, tpu.core_type = #tpu.core_type<tc>, window_params = [{transform_indices = @transform_0, window_bounds = array<i64: 2048, 128>}, {transform_indices = @transform_1, window_bounds = array<i64: 2048, 128>}, {transform_indices = @transform_2, window_bounds = array<i64: 2048>}, {transform_indices = @transform_3, window_bounds = array<i64: 2048>}, {pipeline_mode = #tpu.pipeline_mode<synchronous>, transform_indices = @transform_4, window_bounds = array<i64: 64, 128>}, {pipeline_mode = #tpu.pipeline_mode<synchronous>, transform_indices = @transform_5, window_bounds = array<i64: 64>}, {pipeline_mode = #tpu.pipeline_mode<synchronous>, transform_indices = @transform_6, window_bounds = array<i64: 64>}, {transform_indices = @transform_7, window_bounds = array<i64: 2048>}]} {
    %get3A = arith.constant 0 : index
    %get3A_0 = arith.constant 0 : index
    %get3A_1 = vector.load %arg1[%get3A, %get3A_0] : memref<2048x128xf32, #tpu.memory_space<vmem>>, vector<2048x128xf32>
    %get3A_2 = arith.constant 0 : index
    %get3A_3 = arith.constant 0 : index
    %get3A_4 = vector.load %arg2[%get3A_2, %get3A_3] : memref<2048x128xf32, #tpu.memory_space<vmem>>, vector<2048x128xf32>
    %get3A_5 = arith.constant 0 : index
    %get3A_6 = vector.load %arg3[%get3A_5] : memref<2048xf32, #tpu.memory_space<vmem>>, vector<2048xf32>
    %get3A_7 = arith.constant 0 : index
    %get3A_8 = vector.load %arg4[%get3A_7] : memref<2048xi32, #tpu.memory_space<vmem>>, vector<2048xi32>
    %convert_element_type3A = arith.sitofp %get3A_8 : vector<2048xi32> to vector<2048xf32>
    %add3A = arith.constant 2.000000e+00 : f32
    %add3A_9 = vector.broadcast %add3A : f32 to vector<2048xf32>
    %add3A_10 = arith.addf %convert_element_type3A, %add3A_9 : vector<2048xf32>
    %log3A = math.log %add3A_10 : vector<2048xf32>
    %add3A_11 = arith.constant 1.000000e+00 : f32
    %add3A_12 = vector.broadcast %add3A_11 : f32 to vector<2048xf32>
    %add3A_13 = arith.addf %convert_element_type3A, %add3A_12 : vector<2048xf32>
    %log3A_14 = math.log %add3A_13 : vector<2048xf32>
    %sub3A = arith.subf %log3A, %log3A_14 : vector<2048xf32>
    %div3A = arith.constant 11.5129356 : f32
    %div3A_15 = vector.broadcast %div3A : f32 to vector<2048xf32>
    %div3A_16 = arith.divf %sub3A, %div3A_15 : vector<2048xf32>
    %log3A_17 = math.log %div3A_16 : vector<2048xf32>
    %broadcast_in_dim3A = arith.constant 1.000000e+00 : f32
    %broadcast_in_dim3A_18 = vector.broadcast %broadcast_in_dim3A : f32 to vector<1x128xf32>
    %mul3A = arith.mulf %get3A_1, %get3A_4 : vector<2048x128xf32>
    %dot_general3A = arith.constant dense<0.000000e+00> : vector<1x2048xf32>
    %dot_general3A_19 = tpu.matmul %broadcast_in_dim3A_18, %mul3A, %dot_general3A {dimension_numbers = #tpu.dot_dimension_numbers<[1], [1], [0], [0], [0, 0, 1, 0], [], []>, transpose_lhs_hint = false} : vector<1x128xf32>, vector<2048x128xf32>, vector<1x2048xf32> -> vector<1x2048xf32>
    %reshape3A = vector.shape_cast %dot_general3A_19 : vector<1x2048xf32> to vector<2048xf32>
    %add3A_20 = arith.addf %reshape3A, %get3A_6 : vector<2048xf32>
    %sub3A_21 = arith.subf %add3A_20, %log3A_17 : vector<2048xf32>
    %get3A_22 = arith.constant 0 : index
    %get3A_23 = vector.load %arg6[%get3A_22] : memref<64xi32, #tpu.memory_space<vmem>>, vector<64xi32>
    %convert_element_type3A_24 = arith.sitofp %get3A_23 : vector<64xi32> to vector<64xf32>
    %add3A_25 = arith.constant 2.000000e+00 : f32
    %add3A_26 = vector.broadcast %add3A_25 : f32 to vector<64xf32>
    %add3A_27 = arith.addf %convert_element_type3A_24, %add3A_26 : vector<64xf32>
    %log3A_28 = math.log %add3A_27 : vector<64xf32>
    %add3A_29 = arith.constant 1.000000e+00 : f32
    %add3A_30 = vector.broadcast %add3A_29 : f32 to vector<64xf32>
    %add3A_31 = arith.addf %convert_element_type3A_24, %add3A_30 : vector<64xf32>
    %log3A_32 = math.log %add3A_31 : vector<64xf32>
    %sub3A_33 = arith.subf %log3A_28, %log3A_32 : vector<64xf32>
    %div3A_34 = arith.constant 11.5129356 : f32
    %div3A_35 = vector.broadcast %div3A_34 : f32 to vector<64xf32>
    %div3A_36 = arith.divf %sub3A_33, %div3A_35 : vector<64xf32>
    %log3A_37 = math.log %div3A_36 : vector<64xf32>
    %get3A_38 = arith.constant 0 : index
    %get3A_39 = vector.load %arg7[%get3A_38] : memref<64xf32, #tpu.memory_space<vmem>>, vector<64xf32>
    %sub3A_40 = arith.subf %get3A_39, %log3A_37 : vector<64xf32>
    %get3A_41 = arith.constant 0 : index
    %get3A_42 = arith.constant 0 : index
    %get3A_43 = vector.load %arg5[%get3A_41, %get3A_42] : memref<64x128xf32, #tpu.memory_space<vmem>>, vector<64x128xf32>
    %dot_general3A_44 = arith.constant dense<0.000000e+00> : vector<2048x64xf32>
    %dot_general3A_45 = tpu.matmul %get3A_1, %get3A_43, %dot_general3A_44 {dimension_numbers = #tpu.dot_dimension_numbers<[1], [1], [0], [0], [0, 0, 1, 0], [], []>, transpose_lhs_hint = false} : vector<2048x128xf32>, vector<64x128xf32>, vector<2048x64xf32> -> vector<2048x64xf32>
    %broadcast_in_dim3A_46 = vector.shape_cast %sub3A_40 : vector<64xf32> to vector<1x64xf32>
    %add3A_47 = vector.broadcast %broadcast_in_dim3A_46 : vector<1x64xf32> to vector<2048x64xf32>
    %add3A_48 = arith.addf %dot_general3A_45, %add3A_47 : vector<2048x64xf32>
    %max3A = arith.constant 0.000000e+00 : f32
    %max3A_49 = vector.broadcast %max3A : f32 to vector<2048xf32>
    %max3A_50 = arith.maximumf %sub3A_21, %max3A_49 : vector<2048xf32>
    %sub3A_51 = arith.subf %max3A_50, %sub3A_21 : vector<2048xf32>
    %abs3A = math.absf %sub3A_21 : vector<2048xf32>
    %neg3A = arith.constant 0.000000e+00 : f32
    %neg3A_52 = vector.broadcast %neg3A : f32 to vector<2048xf32>
    %neg3A_53 = arith.subf %neg3A_52, %abs3A : vector<2048xf32>
    %exp3A = math.exp %neg3A_53 : vector<2048xf32>
    %add3A_54 = arith.constant 1.000000e+00 : f32
    %add3A_55 = vector.broadcast %add3A_54 : f32 to vector<2048xf32>
    %add3A_56 = arith.addf %add3A_55, %exp3A : vector<2048xf32>
    %log3A_57 = math.log %add3A_56 : vector<2048xf32>
    %add3A_58 = arith.addf %sub3A_51, %log3A_57 : vector<2048xf32>
    %max3A_59 = arith.constant 0.000000e+00 : f32
    %max3A_60 = vector.broadcast %max3A_59 : f32 to vector<2048x64xf32>
    %max3A_61 = arith.maximumf %add3A_48, %max3A_60 : vector<2048x64xf32>
    %abs3A_62 = math.absf %add3A_48 : vector<2048x64xf32>
    %neg3A_63 = arith.constant 0.000000e+00 : f32
    %neg3A_64 = vector.broadcast %neg3A_63 : f32 to vector<2048x64xf32>
    %neg3A_65 = arith.subf %neg3A_64, %abs3A_62 : vector<2048x64xf32>
    %exp3A_66 = math.exp %neg3A_65 : vector<2048x64xf32>
    %add3A_67 = arith.constant 1.000000e+00 : f32
    %add3A_68 = vector.broadcast %add3A_67 : f32 to vector<2048x64xf32>
    %add3A_69 = arith.addf %add3A_68, %exp3A_66 : vector<2048x64xf32>
    %log3A_70 = math.log %add3A_69 : vector<2048x64xf32>
    %add3A_71 = arith.addf %max3A_61, %log3A_70 : vector<2048x64xf32>
    %broadcast_in_dim3A_72 = vector.shape_cast %sub3A_40 : vector<64xf32> to vector<1x64xf32>
    %sub3A_73 = vector.broadcast %broadcast_in_dim3A_72 : vector<1x64xf32> to vector<2048x64xf32>
    %sub3A_74 = arith.subf %add3A_71, %sub3A_73 : vector<2048x64xf32>
    %reduce_sum3A = vector.shape_cast %sub3A_40 : vector<64xf32> to vector<1x64xf32>
    %reduce_sum3A_75 = arith.constant dense<0.000000e+00> : vector<1xf32>
    %reduce_sum3A_76 = vector.multi_reduction <add>, %reduce_sum3A, %reduce_sum3A_75 [1] : vector<1x64xf32> to vector<1xf32>
    %reduce_sum3A_77 = vector.shape_cast %reduce_sum3A_76 : vector<1xf32> to vector<1x1xf32>
    %reduce_sum3A_78 = vector.extract %reduce_sum3A_77[0, 0] : f32 from vector<1x1xf32>
    %broadcast_in_dim3A_79 = arith.constant 1.000000e+00 : f32
    %broadcast_in_dim3A_80 = vector.broadcast %broadcast_in_dim3A_79 : f32 to vector<1x64xf32>
    %dot_general3A_81 = arith.constant dense<0.000000e+00> : vector<1x2048xf32>
    %dot_general3A_82 = tpu.matmul %broadcast_in_dim3A_80, %sub3A_74, %dot_general3A_81 {dimension_numbers = #tpu.dot_dimension_numbers<[1], [1], [0], [0], [0, 0, 1, 0], [], []>, transpose_lhs_hint = false} : vector<1x64xf32>, vector<2048x64xf32>, vector<1x2048xf32> -> vector<1x2048xf32>
    %reshape3A_83 = vector.shape_cast %dot_general3A_82 : vector<1x2048xf32> to vector<2048xf32>
    %add3A_84 = vector.broadcast %reduce_sum3A_78 : f32 to vector<2048xf32>
    %add3A_85 = arith.addf %reshape3A_83, %add3A_84 : vector<2048xf32>
    %add3A_86 = arith.addf %add3A_58, %add3A_85 : vector<2048xf32>
    %swap3A = arith.constant 0 : index
    %swap3A_87 = vector.load %arg8[%swap3A] : memref<2048xf32, #tpu.memory_space<vmem>>, vector<2048xf32>
    tpu.vector_store %arg8[%swap3A], %add3A_86 {strides = array<i32>} : memref<2048xf32, #tpu.memory_space<vmem>>, vector<2048xf32>,
    return
  }
  func.func @transform_0(%arg0: i32) -> (i32, i32) {
    %c0_i32 = arith.constant 0 : i32
    %c0_i32_0 = arith.constant 0 : i32
    return %arg0, %c0_i32 : i32, i32
  }
  func.func @transform_1(%arg0: i32) -> (i32, i32) {
    %c0_i32 = arith.constant 0 : i32
    %c0_i32_0 = arith.constant 0 : i32
    return %arg0, %c0_i32 : i32, i32
  }
  func.func @transform_2(%arg0: i32) -> i32 {
    %c0_i32 = arith.constant 0 : i32
    return %arg0 : i32
  }
  func.func @transform_3(%arg0: i32) -> i32 {
    %c0_i32 = arith.constant 0 : i32
    return %arg0 : i32
  }
  func.func @transform_4(%arg0: i32) -> (i32, i32) {
    %c0_i32 = arith.constant 0 : i32
    %c0_i32_0 = arith.constant 0 : i32
    %c0_i32_1 = arith.constant 0 : i32
    return %c0_i32, %c0_i32_0 : i32, i32
  }
  func.func @transform_5(%arg0: i32) -> i32 {
    %c0_i32 = arith.constant 0 : i32
    %c0_i32_0 = arith.constant 0 : i32
    return %c0_i32 : i32
  }
  func.func @transform_6(%arg0: i32) -> i32 {
    %c0_i32 = arith.constant 0 : i32
    %c0_i32_0 = arith.constant 0 : i32
    return %c0_i32 : i32
  }
  func.func @transform_7(%arg0: i32) -> i32 {
    %c0_i32 = arith.constant 0 : i32
    return %arg0 : i32
  }
}

</mosaic_0001>

<sc_bundles>
// kernel: kernel.4.cloned.1.call-start
scs
__scs_entry_jumppad:
0x0: {  	(pc) =	sbr.rel $0x88, $3  }
0x1: {  	(tag) =	ssettag $0x0;
	lr =	simm.s32 $0x1  }
0x2: {  	[smem:$0x3F9C] =	sst lr;
	_ =	strace $0xD0000000  }
0x3: {  	_ = 	snop  }
0x4: {  	_ = 	snop  }
0x5: {  	_ = 	snop  }
0x6: {  	_ = 	snop  }
0x7: {  	_ = 	snop  }
__scs_overlays_trampoline_lowered:
0x8: {  	[smem:$0x3FAB] =	sst s0  }
0x9: {  	[smem:$0x3FAC] =	sst s1  }
0xa: {  	[smem:$0x3FAD] =	sst s2  }
0xb: {  	[smem:$0x3FAE] =	sst s3  }
0xc: {  	[smem:$0x3FAF] =	sst s4  }
0xd: {  	[smem:$0x3FB0] =	sst s5  }
0xe: {  	[smem:$0x3FB1] =	sst s6  }
0xf: {  	[smem:$0x3FB2] =	sst s7  }
0x10: {  	[smem:$0x3FB3] =	sst s8  }
0x11: {  	[smem:$0x3FB4] =	sst s9;
	s0 =	simm.s32 @!p0 $0x0  }
0x12: {  	s1 =	sld [smem:$0x3F9A];
	s0 =	simm.s32 @p0 $0x1  }
0x13: {  	[smem:$0x3FB5] =	sst s0;
	s0 =	simm.s32 @!p1 $0x0  }
0x14: {  	s2 =	sld [smem:$0x3F99];
	s0 =	simm.s32 @p1 $0x1  }
0x15: {  	[smem:$0x3FB6] =	sst s0;
	s0 =	simm.s32 @!p2 $0x0  }
0x16: {  	s3 =	sld [smem:$0x3FDB];
	s0 =	simm.s32 @p2 $0x1  }
0x17: {  	s4 =	simm.s32 $0x1BF5;
	[smem:$0x3FB8] =	sst s0  }
0x18: {  	s0 =	sld [smem:$0x3F9B];
	_ =	swait.ge [sflag:s4], $0x0  }
0x19: {  	s7 =	sld [smem:$0x3F9C]  }
0x1a: {  	s8 =	sadd.s32 $0xFFFFE003, lr  }
0x1b: {  	s9 =	sadd.s32 $0xFFFFFEF7, lr;
	s5 =	simm.s32 $0xFFFFFFFF;
	p2 =	slt.u32 s8, $0xFFFFF086  }
0x1c: {  	p1 =	slt.u32 s9, $0xF7A;
	s5 =	simm.s32 @!p2 $0x0  }
0x1d: {  	s5 =	simm.s32 @p1 $0x1;
	p0 =	seq.s32 s7, s2  }
0x1e: {  	s7 =	smul.u32 @!p0 $0xF7A, s2;
	p2 =	seq.s32 @!p0 s5, $0x0  }
0x1f: {  	s9 =	smul.u32 $0xF7A, s1;
	s8 =	simm.s32 @!p0 $0x1BF5;
	p2 =	por !p2, p0  }
0x20: {  	[sflag:s8] =	ssyncset.s32 @!p0 $0xFFFFF086;
	s6 =	sadd.s32 @!p0 s3, s7;
	s7 =	simm.s32 @!p0 $0x108  }
0x21: {  	s3 =	sadd.s32 s3, s9;
	s6 =	sadd.s32 @!p0 $0x88, s6;
	s7 =	simm.s32 @p2 $0x1082  }
0x22: {  	[simem:s7], [sflag:s8] =	dma.local @!p0 [hbm:s6], $0xF7A  }
0x23: {  	s9 =	sor.u32 $0xD0000000, s2;
	s6 =	simm.s32 $0x108;
	_ =	swait.ge @!p0 [sflag:s8], $0x0  }
0x24: {  	s3 =	sadd.s32 $0x88, s3;
	s6 =	simm.s32 @!p1 $0x1082;
	[sflag:s4] =	ssyncset.s32 $0xFFFFF086  }
0x25: {  	[simem:s6], [sflag:s4] =	dma.local [hbm:s3], $0xF7A  }
0x26: {  	[smem:$0x3F9C] =	sst s1;
	(tag) =	ssettag s2;
	_ =	strace s9  }
0x27: {  	s1 =	sld [smem:$0x3FAC]  }
0x28: {  	s2 =	sld [smem:$0x3FAD]  }
0x29: {  	s4 =	sld [smem:$0x3FAF]  }
0x2a: {  	p0 =	seq.s32 s5, $0x0;
	s5 =	sld [smem:$0x3FB0]  }
0x2b: {  	s6 =	sld [smem:$0x3FB1]  }
0x2c: {  	s7 =	sld [smem:$0x3FB2]  }
0x2d: {  	s3 =	simm.s32 $0x108;
	s8 =	sld [smem:$0x3FB3]  }
0x2e: {  	s3 =	simm.s32 @!p0 $0x1082;
	s9 =	sld [smem:$0x3FB4]  }
0x2f: {  	lr =	sadd.s32 s0, s3;
	s0 =	sld [smem:$0x3FAB]  }
0x30: {  	s3 =	sld [smem:$0x3FAE]  }
0x31: {  	[smem:$0x3FB7] =	sst s10  }
0x32: {  	s10 =	sld [smem:$0x3FB5];
	_ =	sdelay $0x3  }
0x33: {  	p0 =	seq.s32 s10, $0x1;
	s10 =	sld [smem:$0x3FB7];
	_ =	sdelay $0x3  }
0x34: {  	[smem:$0x3FB7] =	sst s10  }
0x35: {  	s10 =	sld [smem:$0x3FB6];
	_ =	sdelay $0x3  }
0x36: {  	p1 =	seq.s32 s10, $0x1;
	s10 =	sld [smem:$0x3FB7];
	_ =	sdelay $0x3  }
0x37: {  	[smem:$0x3FB7] =	sst s10  }
0x38: {  	s10 =	sld [smem:$0x3FB8]  }
0x39: {  	_ = 	snop;
	(pc) =	sbr.ind lr, $3  }
0x3a: {  	_ = 	snop  }
0x3b: {  	_ = 	snop  }
0x3c: {  	p2 =	seq.s32 s10, $0x1;
	s10 =	sld [smem:$0x3FB7]  }
0x3d: {  	_ =	shalt  }
0x3e: {  	_ =	shalt  }
0x3f: {  	_ =	shalt  }
0x40: {  	_ =	shalt  }
0x41: {  	_ =	shalt  }
0x42: {  	_ =	shalt  }
0x43: {  	_ =	shalt  }
0x44: {  	_ =	shalt  }
0x45: {  	_ =	shalt  }
0x46: {  	_ =	shalt  }
0x47: {  	_ =	shalt  }
0x48: {  	_ =	shalt  }
0x49: {  	_ =	shalt  }
0x4a: {  	_ =	shalt  }
0x4b: {  	_ =	shalt  }
0x4c: {  	_ =	shalt  }
0x4d: {  	_ =	shalt  }
0x4e: {  	_ =	shalt  }
0x4f: {  	_ =	shalt  }
0x50: {  	_ =	shalt  }
0x51: {  	_ =	shalt  }
0x52: {  	_ =	shalt  }
0x53: {  	_ =	shalt  }
0x54: {  	_ =	shalt  }
0x55: {  	_ =	shalt  }
0x56: {  	_ =	shalt  }
0x57: {  	_ =	shalt  }
0x58: {  	_ =	shalt  }
0x59: {  	_ =	shalt  }
0x5a: {  	_ =	shalt  }
0x5b: {  	_ =	shalt  }
0x5c: {  	_ =	shalt  }
0x5d: {  	_ =	shalt  }
0x5e: {  	_ =	shalt  }
0x5f: {  	_ =	shalt  }
0x60: {  	_ =	shalt  }
0x61: {  	_ =	shalt  }
0x62: {  	_ =	shalt  }
0x63: {  	_ =	shalt  }
0x64: {  	_ =	shalt  }
0x65: {  	_ =	shalt  }
0x66: {  	_ =	shalt  }
0x67: {  	_ =	shalt  }
0x68: {  	_ =	shalt  }
0x69: {  	_ =	shalt  }
0x6a: {  	_ =	shalt  }
0x6b: {  	_ =	shalt  }
0x6c: {  	_ =	shalt  }
0x6d: {  	_ =	shalt  }
0x6e: {  	_ =	shalt  }
0x6f: {  	_ =	shalt  }
0x70: {  	_ =	shalt  }
0x71: {  	_ =	shalt  }
0x72: {  	_ =	shalt  }
0x73: {  	_ =	shalt  }
0x74: {  	_ =	shalt  }
0x75: {  	_ =	shalt  }
0x76: {  	_ =	shalt  }
0x77: {  	_ =	shalt  }
0x78: {  	_ =	shalt  }
0x79: {  	_ =	shalt  }
0x7a: {  	_ =	shalt  }
0x7b: {  	_ =	shalt  }
0x7c: {  	_ =	shalt  }
0x7d: {  	_ =	shalt  }
0x7e: {  	_ =	shalt  }
0x7f: {  	_ =	shalt  }
0x80: {  	_ =	shalt  }
0x81: {  	_ =	shalt  }
0x82: {  	_ =	shalt  }
0x83: {  	_ =	shalt  }
0x84: {  	_ =	shalt  }
0x85: {  	_ =	shalt  }
0x86: {  	_ =	shalt  }
0x87: {  	_ =	shalt  }
.Lfunc_end0:
.L_simem_size_0:
called_computation_lowered:
.L_overlay_start_0:
0x88: {  	s2 =	sld [smem:$0x3FD9]  }
0x89: {  	s3 =	sld [smem:$0x3FFE];
	_ =	sdelay $0x1  }
0x8a: {  	s1 =	srdreg.scid  }
0x8b: {  	s0 =	sand.u32 $0x1, s1  }
0x8c: {  	s17 =	sshll.u32 s0, $0xA;
	s2 =	sadd.s32 s3, s2  }
0x8d: {  	s2 =	sadd.s32 s2, s17  }
0x8e: {  	[smem:$0x3FC3] =	sst s2  }
0x8f: {  	_ = 	snop  }
0x90: {  	s2 =	sld [smem:$0x3FC9]  }
0x91: {  	s18 =	sld [smem:$0x3FC8]  }
0x92: {  	s4 =	sld [smem:$0x3FC7]  }
0x93: {  	s5 =	sld [smem:$0x3FC6]  }
0x94: {  	s6 =	sld [smem:$0x3FC5]  }
0x95: {  	s7 =	sld [smem:$0x3FD0];
	(tm) =	ssettm $0x1  }
0x96: {  	s8 =	sld [smem:$0x3FFB];
	_ =	sdelay $0x3  }
0x97: {  	_ =	strace s8  }
0x98: {  	s8 =	sld [smem:$0x3FFC];
	_ =	sdelay $0x3  }
0x99: {  	_ =	strace s8  }
0x9a: {  	s8 =	sld [smem:$0x3FFD];
	_ =	sdelay $0x3  }
0x9b: {  	_ =	strace s8  }
0x9c: {  	_ =	strace $0x8FFFFFFF  }
0x9d: {  	s19 =	sld [smem:$0x3FDB];
	_ =	sdelay $0x1  }
0x9e: {  	s9 =	simm.s32 $_scs_section_size  }
0x9f: {  	s10 =	simm.s32 $_size__tile_overlayer_lowered;
	s11 =	simm.s32 $_tile_overlayer_lowered  }
0xa0: {  	s22 =	simm.s32 $0x1BFF;
	s21 =	sshll.u32 s11, $0x1;
	s8 =	sadd.s32 s9, s19  }
0xa1: {  	s12 =	simm.s32 $0x0;
	s20 =	sshll.u32 s10, $0x1;
	s10 =	sadd.s32 s21, s8  }
0xa2: {  	[timem:s12], [sflag:s22] =	dma.local [hbm:s10], s20  }
0xa3: {  	_ =	swait.ge [sflag:s22], s20  }
0xa4: {  	s9 =	ssub.s32 $0x0, s20;
	[sflag:s22] =	ssyncset.done $0x0  }
0xa5: {  	[sflag:s22] =	ssyncadd.s32 s9;
	_ =	sdelay $0x1  }
0xa6: {  	s23 =	simm.s32 $0x1B8B  }
0xa7: {  	_ =	swait.ge [sflag:s23], $0x1  }
0xa8: {  	[sflag:s23] =	ssyncset.done $0x0  }
0xa9: {  	s25 =	simm.s32 $0x1B8E;
	s24 =	sld [smem:$0x3FFE];
	[sflag:s23] =	ssyncadd.s32 $0xFFFFFFFF  }
0xaa: {  	s26 =	simm.s32 $execute0_lowered;
	[smem:$0x3FD2] =	sst s25  }
0xab: {  	s10 =	sshll.u32 s26, $0x1;
	_ =	strace $0x80000046;
	[dreg:$0x1] =	wrdreg $0xFFFFFFFF  }
0xac: {  	s28 =	simm.s32 $_size_execute0_lowered;
	s8 =	sadd.s32 s8, s10;
	[dreg:$0x0] =	wrdreg $0x0  }
0xad: {  	s10 =	sshll.u32 s28, $0x1;
	[dreg:$0x2] =	wrdreg s8  }
0xae: {  	[dreg:$0x3] =	wrdreg s10  }
0xaf: {  	[dreg:$0x4] =	wrdreg $0xC0  }
0xb0: {  	_ =	task [dreg:s12], $0x5FFFF  }
0xb1: {  	[dreg:$0x1] =	wrdreg $0xFFFFFFFF  }
0xb2: {  	[dreg:$0x0] =	wrdreg $0x60  }
0xb3: {  	[dreg:$0x2] =	wrdreg s4  }
0xb4: {  	[dreg:$0x3] =	wrdreg s5  }
0xb5: {  	[dreg:$0x4] =	wrdreg s6  }
0xb6: {  	[dreg:$0x5] =	wrdreg s2  }
0xb7: {  	[dreg:$0x6] =	wrdreg s18  }
0xb8: {  	[dreg:$0x7] =	wrdreg s24  }
0xb9: {  	[dreg:$0x8] =	wrdreg s7  }
0xba: {  	[dreg:$0x9] =	wrdreg $0x9  }
0xbb: {  	_ =	task.clear_ibuf [dreg:s12], $0xAFFFF;
	_ =	strace $0x90000046  }
0xbc: {  	s29 =	simm.s32 $0x9;
	_ =	strace $0x80000048  }
0xbd: {  	_ =	swait.ge [sflag:s29], $0x1  }
0xbe: {  	[sflag:s29] =	ssyncadd.s32 $0xFFFFFFFF  }
0xbf: {  	_ =	strace $0x90000048  }
0xc0: {  	_ =	sfence  }
0xc1: {  	s30 =	sld [smem:$0x0];
	_ =	sdelay $0x2  }
0xc2: {  	s31 =	sshll.u32 s1, $0xD;
	s1 =	sshrl.u32 s1, $0x2  }
0xc3: {  	s3 =	sand.u32 $0x4000, s31;
	s1 =	sadd.s32 s1, s30  }
0xc4: {  	s0 =	sor.u32 s3, s0;
	s1 =	sshll.u32 s1, $0x11  }
0xc5: {  	s0 =	sor.u32 s1, s0  }
0xc6: {  	s0 =	sadd.s32 $0x8F2B, s0  }
0xc7: {  	[sflag:s0] =	ssyncadd.remote.s32 $0x1  }
0xc8: {  	_ =	sfence.sel $0xFFFF  }
0xc9: {  	[dreg:$0x0] =	wrdreg $0xFFFFFFFF;
	(pc) =	sbr.abs _section_cstart, $3  }
0xca: {  	[dreg:$0x1] =	wrdreg $0xFFFFFFFF  }
0xcb: {  	_ =	task.clear_ibuf [dreg:s12], $0x2FFFF;
	_ =	strace $0x9FFFFFFF  }
0xcc: {  	(tm) =	ssettm $0x7FFFFFFF  }
0xcd: {  	_ =	shalt  }
tec
execute0_lowered:
.L_overlay_start_1:
0x0: {  	(tag) =	ssettag $0x1  }
0x1: {  	s0 =	rddreg [dreg:$0x0]  }
0x2: {  	s1 =	rddreg [dreg:$0x1]  }
0x3: {  	s3 =	rddreg [dreg:$0x2]  }
0x4: {  	s6 =	rddreg [dreg:$0x3]  }
0x5: {  	s4 =	srdreg.scid;
	s2 =	stileid.u32  }
0x6: {  	s7 =	rddreg [dreg:$0x4];
	s4 =	sand.u32 $0x1, s4;
	s8 =	sshll.u32 s2, $0x1  }
0x7: {  	s26 =	rddreg [dreg:$0x5];
	s5 =	simm.s32 $0x0;
	s28 =	sor.u32 s4, s8  }
0x8: {  	[smem:$0x7FF] =	sst s5;
	s31 =	sshll.u32 s28, $0x4  }
0x9: {  	s30 =	rddreg [dreg:$0x6];
	_ =	strace $0x80000047;
	s6 =	sadd.s32 s6, s31  }
0xa: {  	[tilespmem:s5], [sflag:$0x1] =	stream.linear.gather [hbm4b:s6+s5], $0x80, $0x38;
	[tilespmem:$0x8680] =	vst v63  }
0xb: {  	s9 =	simm.s32 $0x1;
	s8 =	simm.s32 $0x80;
	s7 =	sadd.s32 s7, s31  }
0xc: {  	[tilespmem:s8], [sflag:$0x2] =	stream.linear.gather [hbm4b:s7+s5], $0x80, $0x38;
	[tilespmem:$0x8680] =	vst v63  }
0xd: {  	_ =	swait.ge [sflag:s9], $0x80  }
0xe: {  	[sflag:s9] =	ssyncset.done $0x0  }
0xf: {  	s10 =	simm.s32 $0x180;
	s11 =	simm.s32 $0x2;
	[sflag:s9] =	ssyncadd.s32 $0xFFFFFF80  }
0x10: {  	[tilespmem:s10], [sflag:$0x1] =	stream.indirect.gather [hbm4b:s0+s8], $0x80, s5, s8, $0xb8;
	[tilespmem:$0x8680] =	vst v63  }
0x11: {  	_ =	swait.ge [sflag:s11], $0x80  }
0x12: {  	[sflag:s11] =	ssyncset.done $0x0  }
0x13: {  	s12 =	simm.s32 $0x4180;
	p0 =	sgt.u32 s2, $0x3;
	[sflag:s11] =	ssyncadd.s32 $0xFFFFFF80  }
0x14: {  	[tilespmem:s12], [sflag:$0x2] =	stream.indirect.gather [hbm4b:s1+s8], $0x80, s8, s8, $0xb8;
	[tilespmem:$0x8680] =	vst v63  }
0x15: {  	s14 =	simm.s32 $0x8180;
	s15 =	simm.s32 @!p0 $0x0;
	s23 =	sadd.s32 s28, s26  }
0x16: {  	[tilespmem:s14], [sflag:$0x3] =	stream.indirect.gather [hbm4b:s3+s8], $0x1, s8, s8, $0xb8;
	[tilespmem:$0x8680] =	vst v63  }
0x17: {  	s16 =	simm.s32 @!p0 $0x100;
	s17 =	simm.s32 @!p0 $0x4;
	s13 =	sadd.s32 $0x1600, s23  }
0x18: {  	[tilespmem:s16], [sflag:$0x4] =	stream.linear.gather @!p0 [hbm4b:s13+s15], $0x8, $0x38;
	[tilespmem:$0x8680] =	vst v63  }
0x19: {  	_ =	swait.ge @!p0 [sflag:s17], $0x8  }
0x1a: {  	[sflag:s17] =	ssyncset.done @!p0 $0x0  }
0x1b: {  	s18 =	simm.s32 @!p0 $0x8;
	s19 =	simm.s32 @!p0 $0x8200;
	[sflag:s17] =	ssyncadd.s32 @!p0 $0xFFFFFFF8  }
0x1c: {  	[tilespmem:s19], [sflag:$0x4] =	stream.indirect.gather @!p0 [hbm4b:s1+s18], $0x80, s16, s18, $0xb8;
	[tilespmem:$0x8680] =	vst v63  }
0x1d: {  	s20 =	simm.s32 @!p0 $0x8600  }
0x1e: {  	[tilespmem:s20], [sflag:$0x5] =	stream.indirect.gather @!p0 [hbm4b:s3+s18], $0x1, s16, s18, $0xb8;
	[tilespmem:$0x8680] =	vst v63  }
0x1f: {  	s21 =	sshll.u32 s28, $0x7;
	_ =	swait.ge @!p0 [sflag:s17], $0x400  }
0x20: {  	s21 =	sadd.s32 s21, s26;
	[sflag:s17] =	ssyncset.done @!p0 $0x0  }
0x21: {  	s22 =	simm.s32 @!p0 $0x5;
	s21 =	sadd.s32 $0x21800, s21;
	[sflag:s17] =	ssyncadd.s32 @!p0 $0xFFFFFC00  }
0x22: {  	[hbm4b:s21+s15] =	stream.linear.scatter @!p0 [tilespmem:s19], [sflag:$0x6], $0x400, $0x38;
	[tilespmem:$0x8680] =	vst v63  }
0x23: {  	_ =	swait.ge @!p0 [sflag:s22], $0x8  }
0x24: {  	[sflag:s22] =	ssyncset.done @!p0 $0x0  }
0x25: {  	s24 =	simm.s32 @!p0 $0x6;
	s23 =	sadd.s32 $0x21C00, s23;
	[sflag:s22] =	ssyncadd.s32 @!p0 $0xFFFFFFF8  }
0x26: {  	[hbm4b:s23+s15] =	stream.linear.scatter @!p0 [tilespmem:s20], [sflag:$0x7], $0x8, $0x38;
	[tilespmem:$0x8680] =	vst v63  }
0x27: {  	_ =	swait.ge @!p0 [sflag:s24], $0x400  }
0x28: {  	[sflag:s24] =	ssyncset.done @!p0 $0x0  }
0x29: {  	s25 =	simm.s32 @!p0 $0x7;
	[sflag:s24] =	ssyncadd.s32 @!p0 $0xFFFFFC00  }
0x2a: {  	_ =	swait.ge @!p0 [sflag:s25], $0x8  }
0x2b: {  	[sflag:s25] =	ssyncset.done @!p0 $0x0  }
0x2c: {  	[sflag:s25] =	ssyncadd.s32 @!p0 $0xFFFFFFF8  }
0x2d: {  	s28 =	sshll.u32 s28, $0xB;
	_ =	swait.ge [sflag:s9], $0x4000  }
0x2e: {  	s28 =	sadd.s32 s28, s26;
	[sflag:s9] =	ssyncset.done $0x0  }
0x2f: {  	s26 =	sadd.s32 $0x1800, s28;
	[sflag:s9] =	ssyncadd.s32 $0xFFFFC000  }
0x30: {  	[hbm4b:s26+s5] =	stream.linear.scatter [tilespmem:s10], [sflag:$0x1], $0x4000, $0x38;
	[tilespmem:$0x8680] =	vst v63  }
0x31: {  	_ =	swait.ge [sflag:s11], $0x4000  }
0x32: {  	[sflag:s11] =	ssyncset.done $0x0  }
0x33: {  	s29 =	simm.s32 $0x3;
	s28 =	sadd.s32 $0x11800, s28;
	[sflag:s11] =	ssyncadd.s32 $0xFFFFC000  }
0x34: {  	[hbm4b:s28+s5] =	stream.linear.scatter [tilespmem:s12], [sflag:$0x2], $0x4000, $0x38;
	[tilespmem:$0x8680] =	vst v63  }
0x35: {  	s4 =	ssub.s32 $0x2, s4;
	_ =	swait.ge [sflag:s29], $0x80  }
0x36: {  	s30 =	sadd.s32 s30, s31;
	s31 =	sshrl.u32 s4, $0x1;
	[sflag:s29] =	ssyncset.done $0x0  }
0x37: {  	s4 =	ssub.s32 s4, s31;
	[sflag:s29] =	ssyncadd.s32 $0xFFFFFF80  }
0x38: {  	[hbm4b:s30+s5] =	stream.linear.scatter [tilespmem:s14], [sflag:$0x8], $0x80, $0x38;
	[tilespmem:$0x8680] =	vst v63  }
0x39: {  	s4 =	smax.u32 s4, $0x1;
	_ =	swait.ge [sflag:s9], $0x4000  }
0x3a: {  	s31 =	sadd.s32 $0xFFFFFFFF, s4;
	[sflag:s9] =	ssyncset.done $0x0  }
0x3b: {  	p1 =	sne.s32 s31, $0x0;
	[sflag:s9] =	ssyncadd.s32 $0xFFFFC000  }
.Ltmp0:
0x3c: {  	_ =	swait.ge [sflag:s11], $0x4000;
	(pc) =	sbr.rel @!p1 .LBB2_2-.Ltmp0, $4  }
0x3d: {  	[sflag:s11] =	ssyncset.done $0x0  }
0x3e: {  	s4 =	simm.s32 $0x8;
	[sflag:s11] =	ssyncadd.s32 $0xFFFFC000  }
0x3f: {  	_ =	swait.ge [sflag:s4], $0x80  }
0x40: {  	[sflag:s4] =	ssyncset.done $0x0  }
.LBB2_1:
0x41: {  	s31 =	sadd.s32 $0xFFFFFFFF, s31;
	[sflag:s4] =	ssyncadd.s32 $0xFFFFFF80  }
0x42: {  	[tilespmem:s5], [sflag:$0x1] =	stream.linear.gather [hbm4b:s6+s5], $0x80, $0x38;
	[tilespmem:$0x8680] =	vst v63  }
0x43: {  	p1 =	sne.s32 s31, $0x0  }
0x44: {  	[tilespmem:s8], [sflag:$0x2] =	stream.linear.gather [hbm4b:s7+s5], $0x80, $0x38;
	[tilespmem:$0x8680] =	vst v63  }
0x45: {  	_ =	swait.ge [sflag:s9], $0x80  }
0x46: {  	[sflag:s9] =	ssyncset.done $0x0  }
0x47: {  	[sflag:s9] =	ssyncadd.s32 $0xFFFFFF80  }
0x48: {  	[tilespmem:s10], [sflag:$0x1] =	stream.indirect.gather [hbm4b:s0+s8], $0x80, s5, s8, $0xb8;
	[tilespmem:$0x8680] =	vst v63  }
0x49: {  	_ =	swait.ge [sflag:s11], $0x80  }
0x4a: {  	[sflag:s11] =	ssyncset.done $0x0  }
0x4b: {  	[sflag:s11] =	ssyncadd.s32 $0xFFFFFF80  }
0x4c: {  	[tilespmem:s12], [sflag:$0x2] =	stream.indirect.gather [hbm4b:s1+s8], $0x80, s8, s8, $0xb8;
	[tilespmem:$0x8680] =	vst v63  }
0x4d: {  	_ = 	snop  }
0x4e: {  	[tilespmem:s14], [sflag:$0x3] =	stream.indirect.gather [hbm4b:s3+s8], $0x1, s8, s8, $0xb8;
	[tilespmem:$0x8680] =	vst v63  }
0x4f: {  	_ = 	snop  }
0x50: {  	[tilespmem:s16], [sflag:$0x4] =	stream.linear.gather @!p0 [hbm4b:s13+s15], $0x8, $0x38;
	[tilespmem:$0x8680] =	vst v63  }
0x51: {  	_ =	swait.ge @!p0 [sflag:s17], $0x8  }
0x52: {  	[sflag:s17] =	ssyncset.done @!p0 $0x0  }
0x53: {  	[sflag:s17] =	ssyncadd.s32 @!p0 $0xFFFFFFF8  }
0x54: {  	[tilespmem:s19], [sflag:$0x4] =	stream.indirect.gather @!p0 [hbm4b:s1+s18], $0x80, s16, s18, $0xb8;
	[tilespmem:$0x8680] =	vst v63  }
0x55: {  	_ = 	snop  }
0x56: {  	[tilespmem:s20], [sflag:$0x5] =	stream.indirect.gather @!p0 [hbm4b:s3+s18], $0x1, s16, s18, $0xb8;
	[tilespmem:$0x8680] =	vst v63  }
0x57: {  	_ =	swait.ge @!p0 [sflag:s17], $0x400  }
0x58: {  	[sflag:s17] =	ssyncset.done @!p0 $0x0  }
0x59: {  	[sflag:s17] =	ssyncadd.s32 @!p0 $0xFFFFFC00  }
0x5a: {  	[hbm4b:s21+s15] =	stream.linear.scatter @!p0 [tilespmem:s19], [sflag:$0x6], $0x400, $0x38;
	[tilespmem:$0x8680] =	vst v63  }
0x5b: {  	_ =	swait.ge @!p0 [sflag:s22], $0x8  }
0x5c: {  	[sflag:s22] =	ssyncset.done @!p0 $0x0  }
0x5d: {  	[sflag:s22] =	ssyncadd.s32 @!p0 $0xFFFFFFF8  }
0x5e: {  	[hbm4b:s23+s15] =	stream.linear.scatter @!p0 [tilespmem:s20], [sflag:$0x7], $0x8, $0x38;
	[tilespmem:$0x8680] =	vst v63  }
0x5f: {  	_ =	swait.ge @!p0 [sflag:s24], $0x400  }
0x60: {  	[sflag:s24] =	ssyncset.done @!p0 $0x0  }
0x61: {  	[sflag:s24] =	ssyncadd.s32 @!p0 $0xFFFFFC00  }
0x62: {  	_ =	swait.ge @!p0 [sflag:s25], $0x8  }
0x63: {  	[sflag:s25] =	ssyncset.done @!p0 $0x0  }
0x64: {  	[sflag:s25] =	ssyncadd.s32 @!p0 $0xFFFFFFF8  }
0x65: {  	_ =	swait.ge [sflag:s9], $0x4000  }
0x66: {  	[sflag:s9] =	ssyncset.done $0x0  }
0x67: {  	[sflag:s9] =	ssyncadd.s32 $0xFFFFC000  }
0x68: {  	[hbm4b:s26+s5] =	stream.linear.scatter [tilespmem:s10], [sflag:$0x1], $0x4000, $0x38;
	[tilespmem:$0x8680] =	vst v63  }
0x69: {  	_ =	swait.ge [sflag:s11], $0x4000  }
0x6a: {  	[sflag:s11] =	ssyncset.done $0x0  }
0x6b: {  	[sflag:s11] =	ssyncadd.s32 $0xFFFFC000  }
0x6c: {  	[hbm4b:s28+s5] =	stream.linear.scatter [tilespmem:s12], [sflag:$0x2], $0x4000, $0x38;
	[tilespmem:$0x8680] =	vst v63  }
0x6d: {  	_ =	swait.ge [sflag:s29], $0x80  }
0x6e: {  	[sflag:s29] =	ssyncset.done $0x0  }
0x6f: {  	[sflag:s29] =	ssyncadd.s32 $0xFFFFFF80  }
0x70: {  	[hbm4b:s30+s5] =	stream.linear.scatter [tilespmem:s14], [sflag:$0x8], $0x80, $0x38;
	[tilespmem:$0x8680] =	vst v63  }
0x71: {  	_ =	swait.ge [sflag:s9], $0x4000  }
0x72: {  	[sflag:s9] =	ssyncset.done $0x0  }
0x73: {  	[sflag:s9] =	ssyncadd.s32 $0xFFFFC000  }
.Ltmp1:
0x74: {  	_ =	swait.ge [sflag:s11], $0x4000;
	(pc) =	sbr.rel @p1 .LBB2_1-.Ltmp1, $4  }
0x75: {  	[sflag:s11] =	ssyncset.done $0x0  }
0x76: {  	[sflag:s11] =	ssyncadd.s32 $0xFFFFC000  }
0x77: {  	_ =	swait.ge [sflag:s4], $0x80  }
0x78: {  	[sflag:s4] =	ssyncset.done $0x0  }
.LBB2_2:
0x79: {  	[sflag:s4] =	ssyncadd.s32 $0xFFFFFF80  }
0x7a: {  	_ =	sfence.sel $0x180000  }
0x7b: {  	[bflag:$0x0] =	sbarrier.arrive $0xFFFF  }
0x7c: {  	_ =	strace $0x90000047  }
0x7d: {  	[bflag:$0x2] =	sbarrier.arrive $0xFFFF  }
0x7e: {  	p0 =	sne.s32 s2, $0x0;
	s0 =	rddreg [dreg:$0x7]  }
0x7f: {  	s0 =	sadd.s32 @!p0 $0x100000, s0  }
0x80: {  	[sflag:s0] =	ssyncadd.tile.s32 @!p0 $0x1;
	_ =	shalt  }
.Lfunc_end2:
_tile_overlayer_lowered:
.L_overlay_start_2:
0x81: {  	(tag) =	ssettag $0x2  }
0x82: {  	s0 =	rddreg [dreg:$0x0];
	s2 =	stileid.u32  }
0x83: {  	s1 =	rddreg [dreg:$0x1];
	p0 =	sne.s32 s2, $0x0  }
0x84: {  	s3 =	rddreg [dreg:$0x2];
	[bflag:$0x3] =	sbarrier.arrive $0xFFFF;
	s2 =	simm.s32 @!p0 $0x1C09  }
0x85: {  	[timem:s3], [sflag:s2] =	dma.local @!p0 [hbm:s0], s1  }
0x86: {  	s0 =	simm.s32 @!p0 $0x9  }
0x87: {  	_ =	swait.ge @!p0 [sflag:s0], s1  }
0x88: {  	s1 =	ssub.s32 @!p0 $0x0, s1;
	[sflag:s0] =	ssyncset.done @!p0 $0x0  }
0x89: {  	[sflag:s0] =	ssyncadd.s32 @!p0 s1  }
0x8a: {  	[bflag:$0x3] =	sbarrier.arrive $0xFFFF  }
0x8b: {  	_ =	shalt  }

</sc_bundles>
